<compile_context>
chip_gen: v7x
topology: tpu7x:2x2x1
jax: 0.10.2.dev20260603
libtpu: 0.0.44.dev20260713+nightly
codegen_flags: <defaults>
</compile_context>

<pallas_src>
import functools

import jax
import jax.numpy as jnp
from jax import lax
from jax.experimental import pallas as pl
from jax.experimental.pallas import tpu as pltpu
from jax.experimental.pallas import tpu_sc as plsc

_NUM_CORES = 2
_NUM_SUBCORES = 16
_LANES = 16


def _sc_segment_sums(edge_index, nt, nip):
    n = nt.shape[0]
    e = edge_index.shape[1]
    nw = _NUM_CORES * _NUM_SUBCORES
    epw = e // nw
    steps = epw // _LANES
    zsteps = n // _LANES
    win = ((epw + 127) // 128 + 2) * 128
    mesh = plsc.VectorSubcoreMesh(core_axis_name="c", subcore_axis_name="s")
    part = jax.ShapeDtypeStruct((nw, n), jnp.float32)

    @functools.partial(
        pl.kernel,
        out_type=(part, part, part),
        mesh=mesh,
        compiler_params=pltpu.CompilerParams(needs_layout_passes=False),
        scratch_types=[
            pltpu.VMEM((n,), jnp.float32),
            pltpu.VMEM((n,), jnp.float32),
            pltpu.VMEM((1, n), jnp.float32),
            pltpu.VMEM((1, n), jnp.float32),
            pltpu.VMEM((1, n), jnp.float32),
            pltpu.VMEM((2, win), jnp.int32),
            pltpu.SemaphoreType.DMA,
            pltpu.SemaphoreType.DMA,
            pltpu.SemaphoreType.DMA,
        ],
    )
    def sc_kernel(ei_hbm, nt_hbm, nip_hbm,
                  out_nt, out_nip, out_deg,
                  nt_v, nip_v, acc_nt, acc_nip, acc_deg, ei_v,
                  sem0, sem1, sem2):
        wid = lax.axis_index("s") * _NUM_CORES + lax.axis_index("c")
        base = wid * epw
        base_al = jnp.minimum((base // 128) * 128, e - win)
        off = base - base_al
        c0 = pltpu.async_copy(
            ei_hbm.at[pl.ds(0, 2), pl.ds(base_al, win)], ei_v, sem0)
        c1 = pltpu.async_copy(nt_hbm, nt_v, sem1)
        c2 = pltpu.async_copy(nip_hbm, nip_v, sem2)

        @plsc.parallel_loop(0, zsteps, 1, unroll=1)
        def _(i):
            z = jnp.zeros((_LANES,), jnp.float32)
            acc_nt[0, pl.ds(i * _LANES, _LANES)] = z
            acc_nip[0, pl.ds(i * _LANES, _LANES)] = z
            acc_deg[0, pl.ds(i * _LANES, _LANES)] = z

        c0.wait()
        c1.wait()
        c2.wait()

        ones = jnp.ones((_LANES,), jnp.float32)
        zi = jnp.zeros((_LANES,), jnp.int32)

        @plsc.parallel_loop(0, steps, 1, unroll=2)
        def _(i):
            s16 = ei_v[0, pl.ds(off + i * _LANES, _LANES)]
            d16 = ei_v[1, pl.ds(off + i * _LANES, _LANES)]
            plsc.addupdate_scatter(acc_nt, [zi, d16],
                                   plsc.load_gather(nt_v, [s16]))
            plsc.addupdate_scatter(acc_nip, [zi, d16],
                                   plsc.load_gather(nip_v, [s16]))
            plsc.addupdate_scatter(acc_deg, [zi, d16], ones)

        pltpu.sync_copy(acc_nt, out_nt.at[pl.ds(wid, 1)])
        pltpu.sync_copy(acc_nip, out_nip.at[pl.ds(wid, 1)])
        pltpu.sync_copy(acc_deg, out_deg.at[pl.ds(wid, 1)])

    return sc_kernel(edge_index, nt, nip)


def _tc_combine_body(ant_ref, anip_ref, adeg_ref, nt_ref, nip_ref, wenc_ref,
                     benc_ref, wself_ref, wneigh_ref, bsage_ref, out_ref):
    n = nt_ref.shape[0]
    s_nt = jnp.sum(ant_ref[...], axis=0, keepdims=True)
    s_nip = jnp.sum(anip_ref[...], axis=0, keepdims=True)
    deg = jnp.sum(adeg_ref[...], axis=0, keepdims=True)
    inv = 1.0 / jnp.maximum(deg, 1.0)
    benc = benc_ref[...].reshape(1, -1)
    g = jnp.concatenate([nt_ref[...].reshape(1, n), nip_ref[...].reshape(1, n),
                         s_nt * inv, s_nip * inv, deg * inv], axis=0)
    w5 = jnp.concatenate(
        [wenc_ref[...] @ wself_ref[...],
         jnp.concatenate([wenc_ref[...], benc], axis=0)
         @ wneigh_ref[...]], axis=0)
    const = benc @ wself_ref[...] + bsage_ref[...].reshape(1, -1)
    out_ref[...] = lax.dot_general(
        g, w5, (((0,), (0,)), ((), ())),
        preferred_element_type=jnp.float32) + const


def _tc_combine(accs, nt, nip, w_enc, b_enc, w_self, w_neigh, b_sage):
    n = nt.shape[0]
    return pl.pallas_call(
        _tc_combine_body,
        out_shape=jax.ShapeDtypeStruct((n, w_self.shape[1]), jnp.float32),
    )(*accs, nt, nip, w_enc, b_enc, w_self, w_neigh, b_sage)


def kernel(node_type, num_inverted_predecessors, edge_index, W_enc, b_enc,
           W_self, W_neigh, b_sage):
    accs = _sc_segment_sums(edge_index, node_type, num_inverted_predecessors)
    return _tc_combine(accs, node_type, num_inverted_predecessors, W_enc,
                       b_enc, W_self, W_neigh, b_sage)

# --- scband reference (transcript-rebuilt; emitter-appended) ---
"""Pipeline reference for scband-gnn-node-62491774157326 (READ-ONLY COPY).

The authoritative reference and input builder live on the scoring server;
editing this copy changes nothing except your own understanding.
"""

import jax, jax.numpy as jnp
import numpy as np

N = 10000
E = 320000
IN_DIM = 128
EMB_DIM = 128


def setup_inputs(seed: int = 0) -> dict:
    key = jax.random.key(seed)
    ks = jax.random.split(key, 8)
    node_type = jax.random.uniform(ks[0], (N,), dtype=jnp.float32)
    num_inverted_predecessors = jax.random.uniform(ks[1], (N,), dtype=jnp.float32)
    edge_index = jax.random.randint(ks[2], (2, E), 0, N, dtype=jnp.int32)
    # node_encoder params: Linear(2 -> IN_DIM)
    W_enc = jax.random.normal(ks[3], (2, IN_DIM), dtype=jnp.float32) * 0.1
    b_enc = jnp.zeros((IN_DIM,), dtype=jnp.float32)
    # SAGENet params: one SAGEConv(IN_DIM -> EMB_DIM) with mean aggregation
    W_self = jax.random.normal(ks[4], (IN_DIM, EMB_DIM), dtype=jnp.float32) * 0.05
    W_neigh = jax.random.normal(ks[5], (IN_DIM, EMB_DIM), dtype=jnp.float32) * 0.05
    b_sage = jnp.zeros((EMB_DIM,), dtype=jnp.float32)
    return {
        "node_type": node_type,
        "num_inverted_predecessors": num_inverted_predecessors,
        "edge_index": edge_index,
        "W_enc": W_enc,
        "b_enc": b_enc,
        "W_self": W_self,
        "W_neigh": W_neigh,
        "b_sage": b_sage,
    }


def reference(node_type, num_inverted_predecessors, edge_index, W_enc, b_enc, W_self, W_neigh, b_sage):
    # x = cat([node_type.reshape(-1,1), num_inverted_predecessors.reshape(-1,1)], dim=1)
    x = jnp.concatenate(
        [node_type.reshape(-1, 1), num_inverted_predecessors.reshape(-1, 1)], axis=1
    )
    # h = node_encoder(x)  (Linear 2 -> IN_DIM)
    h = x @ W_enc + b_enc
    # h = sage(h, edge_index): SAGEConv with mean aggregation over incoming edges
    src = edge_index[0]
    dst = edge_index[1]
    msgs = jnp.take(h, src, axis=0)  # gather source-node features per edge
    agg = jax.ops.segment_sum(msgs, dst, num_segments=N)  # scatter-add to dst
    deg = jax.ops.segment_sum(jnp.ones((E,), dtype=jnp.float32), dst, num_segments=N)
    mean = agg / jnp.maximum(deg, 1.0)[:, None]
    out = h @ W_self + mean @ W_neigh + b_sage
    return out

if __name__ == "__main__":
    import jax
    _d = setup_inputs()
    print(jax.jit(kernel)(*tuple(_d.values())))

</pallas_src>

<mosaic_0001>
#map = affine_map<(d0, d1) -> (0, 0)>
#map1 = affine_map<(d0, d1) -> (0)>
module attributes {stable_mosaic.version = 14 : i64} {
  func.func @sc_kernel(%arg0: i32, %arg1: i32, %arg2: memref<2x320000xi32, #tpu.memory_space<hbm>>, %arg3: memref<10000xf32, #tpu.memory_space<hbm>>, %arg4: memref<10000xf32, #tpu.memory_space<hbm>>, %arg5: memref<32x10000xf32, #tpu.memory_space<hbm>>, %arg6: memref<32x10000xf32, #tpu.memory_space<hbm>>, %arg7: memref<32x10000xf32, #tpu.memory_space<hbm>>, %arg8: memref<10000xf32, #tpu.memory_space<vmem>>, %arg9: memref<10000xf32, #tpu.memory_space<vmem>>, %arg10: memref<1x10000xf32, #tpu.memory_space<vmem>>, %arg11: memref<1x10000xf32, #tpu.memory_space<vmem>>, %arg12: memref<1x10000xf32, #tpu.memory_space<vmem>>, %arg13: memref<2x10368xi32, #tpu.memory_space<vmem>>, %arg14: memref<!tpu.dma_semaphore, #tpu.memory_space<semaphore_mem>>, %arg15: memref<!tpu.dma_semaphore, #tpu.memory_space<semaphore_mem>>, %arg16: memref<!tpu.dma_semaphore, #tpu.memory_space<semaphore_mem>>) attributes {dimension_semantics = [#tpu.dimension_semantics<core_parallel>, #tpu.dimension_semantics<subcore_parallel>], iteration_bounds = array<i64: 2, 16>, scalar_prefetch = 0 : i64, scratch_operands = 9 : i64, tpu.core_type = #tpu.core_type<sc_vector_subcore>, window_params = [{transform_indices = #map}, {transform_indices = #map1}, {transform_indices = #map1}, {transform_indices = #map}, {transform_indices = #map}, {transform_indices = #map}]} {
    %mul3A = arith.constant 2 : i32
    %mul3A_0 = arith.muli %arg1, %mul3A : i32
    %add3A = arith.addi %mul3A_0, %arg0 : i32
    %mul3A_1 = arith.constant 10000 : i32
    %mul3A_2 = arith.muli %add3A, %mul3A_1 : i32
    %jit3A = arith.constant 128 : i32
    %div3A = arith.divsi %mul3A_2, %jit3A : i32
    %sign3A = arith.constant 0 : i32
    %sign3A_3 = arith.cmpi sgt, %mul3A_2, %sign3A : i32
    %sign3A_4 = arith.extui %sign3A_3 : i1 to i32
    %sign3A_5 = arith.constant 0 : i32
    %sign3A_6 = arith.cmpi slt, %mul3A_2, %sign3A_5 : i32
    %sign3A_7 = arith.extui %sign3A_6 : i1 to i32
    %sign3A_8 = arith.subi %sign3A_4, %sign3A_7 : i32
    %sign3A_9 = arith.constant 0 : i32
    %sign3A_10 = arith.cmpi sgt, %jit3A, %sign3A_9 : i32
    %sign3A_11 = arith.extui %sign3A_10 : i1 to i32
    %sign3A_12 = arith.constant 0 : i32
    %sign3A_13 = arith.cmpi slt, %jit3A, %sign3A_12 : i32
    %sign3A_14 = arith.extui %sign3A_13 : i1 to i32
    %sign3A_15 = arith.subi %sign3A_11, %sign3A_14 : i32
    %ne3A = arith.cmpi ne, %sign3A_8, %sign3A_15 : i32
    %rem3A = arith.remsi %mul3A_2, %jit3A : i32
    %ne3A_16 = arith.constant 0 : i32
    %ne3A_17 = arith.cmpi ne, %rem3A, %ne3A_16 : i32
    %and3A = arith.andi %ne3A, %ne3A_17 : i1
    %sub3A = arith.constant 1 : i32
    %sub3A_18 = arith.subi %div3A, %sub3A : i32
    %select_n3A = arith.select %and3A, %sub3A_18, %div3A : i32
    %mul3A_19 = arith.constant 128 : i32
    %mul3A_20 = arith.muli %select_n3A, %mul3A_19 : i32
    %min3A = arith.constant 309632 : i32
    %min3A_21 = arith.minsi %mul3A_20, %min3A : i32
    %sub3A_22 = arith.subi %mul3A_2, %min3A_21 : i32
    %dma_start3A = arith.constant 0 : i32
    %dma_start3A_23 = tpu.memref_slice %arg2[%dma_start3A, %min3A_21] : memref<2x320000xi32, #tpu.memory_space<hbm>> -> memref<2x10368xi32, #tpu.memory_space<hbm>>
    %dma_start3A_24 = arith.constant 0 : i32
    %dma_start3A_25 = tpu.memref_slice %arg2[%dma_start3A_24, %min3A_21] : memref<2x320000xi32, #tpu.memory_space<hbm>> -> memref<2x10368xi32, #tpu.memory_space<hbm>>
    tpu.enqueue_dma source(%dma_start3A_25 : memref<2x10368xi32, #tpu.memory_space<hbm>>) target(%arg13 : memref<2x10368xi32, #tpu.memory_space<vmem>>) target_semaphore(%arg14 : memref<!tpu.dma_semaphore, #tpu.memory_space<semaphore_mem>>)
    tpu.enqueue_dma source(%arg3 : memref<10000xf32, #tpu.memory_space<hbm>>) target(%arg8 : memref<10000xf32, #tpu.memory_space<vmem>>) target_semaphore(%arg15 : memref<!tpu.dma_semaphore, #tpu.memory_space<semaphore_mem>>)
    tpu.enqueue_dma source(%arg4 : memref<10000xf32, #tpu.memory_space<hbm>>) target(%arg9 : memref<10000xf32, #tpu.memory_space<vmem>>) target_semaphore(%arg16 : memref<!tpu.dma_semaphore, #tpu.memory_space<semaphore_mem>>)
    %parallel_loop3A = arith.constant 0 : i32
    %parallel_loop3A_26 = arith.constant 625 : i32
    %parallel_loop3A_27 = arith.constant 1 : i32
    scf.for %parallel_loop3A_37 = %parallel_loop3A to %parallel_loop3A_26 step %parallel_loop3A_27  : i32 {
      %parallel_loop3A_38 = arith.constant 0.000000e+00 : f32
      %parallel_loop3A_39 = vector.broadcast %parallel_loop3A_38 : f32 to vector<16xf32>
      %parallel_loop3A_40 = arith.constant 16 : i32
      %parallel_loop3A_41 = arith.muli %parallel_loop3A_37, %parallel_loop3A_40 : i32
      %parallel_loop3A_42 = arith.constant 0 : i32
      %parallel_loop3A_43 = arith.index_cast %parallel_loop3A_42 : i32 to index
      %parallel_loop3A_44 = arith.index_cast %parallel_loop3A_41 : i32 to index
      %parallel_loop3A_45 = tpu.vector_load %arg10[%parallel_loop3A_43, %parallel_loop3A_44] {strides = array<i32>} : memref<1x10000xf32, #tpu.memory_space<vmem>>, vector<16xf32>,
      tpu.vector_store %arg10[%parallel_loop3A_43, %parallel_loop3A_44], %parallel_loop3A_39 {strides = array<i32>} : memref<1x10000xf32, #tpu.memory_space<vmem>>, vector<16xf32>,
      %parallel_loop3A_46 = arith.constant 16 : i32
      %parallel_loop3A_47 = arith.muli %parallel_loop3A_37, %parallel_loop3A_46 : i32
      %parallel_loop3A_48 = arith.constant 0 : i32
      %parallel_loop3A_49 = arith.index_cast %parallel_loop3A_48 : i32 to index
      %parallel_loop3A_50 = arith.index_cast %parallel_loop3A_47 : i32 to index
      %parallel_loop3A_51 = tpu.vector_load %arg11[%parallel_loop3A_49, %parallel_loop3A_50] {strides = array<i32>} : memref<1x10000xf32, #tpu.memory_space<vmem>>, vector<16xf32>,
      tpu.vector_store %arg11[%parallel_loop3A_49, %parallel_loop3A_50], %parallel_loop3A_39 {strides = array<i32>} : memref<1x10000xf32, #tpu.memory_space<vmem>>, vector<16xf32>,
      %parallel_loop3A_52 = arith.constant 16 : i32
      %parallel_loop3A_53 = arith.muli %parallel_loop3A_37, %parallel_loop3A_52 : i32
      %parallel_loop3A_54 = arith.constant 0 : i32
      %parallel_loop3A_55 = arith.index_cast %parallel_loop3A_54 : i32 to index
      %parallel_loop3A_56 = arith.index_cast %parallel_loop3A_53 : i32 to index
      %parallel_loop3A_57 = tpu.vector_load %arg12[%parallel_loop3A_55, %parallel_loop3A_56] {strides = array<i32>} : memref<1x10000xf32, #tpu.memory_space<vmem>>, vector<16xf32>,
      tpu.vector_store %arg12[%parallel_loop3A_55, %parallel_loop3A_56], %parallel_loop3A_39 {strides = array<i32>} : memref<1x10000xf32, #tpu.memory_space<vmem>>, vector<16xf32>,
    } {sc.loop_unroll_factor = 1 : i64, sc.parallel_access}
    %dma_wait3A = arith.constant 0 : i32
    %dma_wait3A_28 = tpu.memref_slice %arg2[%dma_wait3A, %min3A_21] : memref<2x320000xi32, #tpu.memory_space<hbm>> -> memref<2x10368xi32, #tpu.memory_space<hbm>>
    %dma_wait3A_29 = arith.constant 0 : i32
    %dma_wait3A_30 = tpu.memref_slice %arg2[%dma_wait3A_29, %min3A_21] : memref<2x320000xi32, #tpu.memory_space<hbm>> -> memref<2x10368xi32, #tpu.memory_space<hbm>>
    tpu.wait_dma2 semaphore(%arg14 : memref<!tpu.dma_semaphore, #tpu.memory_space<semaphore_mem>>) src(%dma_wait3A_30 : memref<2x10368xi32, #tpu.memory_space<hbm>>) dst(%arg13 : memref<2x10368xi32, #tpu.memory_space<vmem>>)
    tpu.wait_dma2 semaphore(%arg15 : memref<!tpu.dma_semaphore, #tpu.memory_space<semaphore_mem>>) src(%arg3 : memref<10000xf32, #tpu.memory_space<hbm>>) dst(%arg8 : memref<10000xf32, #tpu.memory_space<vmem>>)
    tpu.wait_dma2 semaphore(%arg16 : memref<!tpu.dma_semaphore, #tpu.memory_space<semaphore_mem>>) src(%arg4 : memref<10000xf32, #tpu.memory_space<hbm>>) dst(%arg9 : memref<10000xf32, #tpu.memory_space<vmem>>)
    %broadcast_in_dim3A = arith.constant 1.000000e+00 : f32
    %broadcast_in_dim3A_31 = vector.broadcast %broadcast_in_dim3A : f32 to vector<16xf32>
    %broadcast_in_dim3A_32 = arith.constant 0 : i32
    %broadcast_in_dim3A_33 = vector.broadcast %broadcast_in_dim3A_32 : i32 to vector<16xi32>
    %parallel_loop3A_34 = arith.constant 0 : i32
    %parallel_loop3A_35 = arith.constant 625 : i32
    %parallel_loop3A_36 = arith.constant 1 : i32
    scf.for %parallel_loop3A_37 = %parallel_loop3A_34 to %parallel_loop3A_35 step %parallel_loop3A_36  : i32 {
      %parallel_loop3A_38 = arith.constant 16 : i32
      %parallel_loop3A_39 = arith.muli %parallel_loop3A_37, %parallel_loop3A_38 : i32
      %parallel_loop3A_40 = arith.addi %sub3A_22, %parallel_loop3A_39 : i32
      %parallel_loop3A_41 = arith.constant 0 : i32
      %parallel_loop3A_42 = arith.index_cast %parallel_loop3A_41 : i32 to index
      %parallel_loop3A_43 = arith.index_cast %parallel_loop3A_40 : i32 to index
      %parallel_loop3A_44 = tpu.vector_load %arg13[%parallel_loop3A_42, %parallel_loop3A_43] {strides = array<i32>} : memref<2x10368xi32, #tpu.memory_space<vmem>>, vector<16xi32>,
      %parallel_loop3A_45 = arith.constant 16 : i32
      %parallel_loop3A_46 = arith.muli %parallel_loop3A_37, %parallel_loop3A_45 : i32
      %parallel_loop3A_47 = arith.addi %sub3A_22, %parallel_loop3A_46 : i32
      %parallel_loop3A_48 = arith.constant 1 : i32
      %parallel_loop3A_49 = arith.index_cast %parallel_loop3A_48 : i32 to index
      %parallel_loop3A_50 = arith.index_cast %parallel_loop3A_47 : i32 to index
      %parallel_loop3A_51 = tpu.vector_load %arg13[%parallel_loop3A_49, %parallel_loop3A_50] {strides = array<i32>} : memref<2x10368xi32, #tpu.memory_space<vmem>>, vector<16xi32>,
      %parallel_loop3A_52 = tpu.vector_load_idx %arg8[%parallel_loop3A_44] : memref<10000xf32, #tpu.memory_space<vmem>>[vector<16xi32>], vector<16xf32>,
      tpu.vector_store_idx %arg10[%broadcast_in_dim3A_33, %parallel_loop3A_51], %parallel_loop3A_52 {add = true} : memref<1x10000xf32, #tpu.memory_space<vmem>>[vector<16xi32>, vector<16xi32>], vector<16xf32>,
      %parallel_loop3A_53 = tpu.vector_load_idx %arg9[%parallel_loop3A_44] : memref<10000xf32, #tpu.memory_space<vmem>>[vector<16xi32>], vector<16xf32>,
      tpu.vector_store_idx %arg11[%broadcast_in_dim3A_33, %parallel_loop3A_51], %parallel_loop3A_53 {add = true} : memref<1x10000xf32, #tpu.memory_space<vmem>>[vector<16xi32>, vector<16xi32>], vector<16xf32>,
      tpu.vector_store_idx %arg12[%broadcast_in_dim3A_33, %parallel_loop3A_51], %broadcast_in_dim3A_31 {add = true} : memref<1x10000xf32, #tpu.memory_space<vmem>>[vector<16xi32>, vector<16xi32>], vector<16xf32>,
    } {sc.loop_unroll_factor = 2 : i64, sc.parallel_access}
    "tpu.region"() ({
      %run_scoped3A = tpu.sem_alloc : memref<!tpu.dma_semaphore, #tpu.memory_space<semaphore_mem>>
      %dma_start3A_37 = arith.constant 0 : i32
      %dma_start3A_38 = tpu.memref_slice %arg5[%add3A, %dma_start3A_37] : memref<32x10000xf32, #tpu.memory_space<hbm>> -> memref<1x10000xf32, #tpu.memory_space<hbm>>
      %dma_start3A_39 = arith.constant 0 : i32
      %dma_start3A_40 = tpu.memref_slice %arg5[%add3A, %dma_start3A_39] : memref<32x10000xf32, #tpu.memory_space<hbm>> -> memref<1x10000xf32, #tpu.memory_space<hbm>>
      tpu.enqueue_dma source(%arg10 : memref<1x10000xf32, #tpu.memory_space<vmem>>) target(%dma_start3A_40 : memref<1x10000xf32, #tpu.memory_space<hbm>>) target_semaphore(%run_scoped3A : memref<!tpu.dma_semaphore, #tpu.memory_space<semaphore_mem>>)
      %dma_wait3A_41 = arith.constant 0 : i32
      %dma_wait3A_42 = tpu.memref_slice %arg5[%add3A, %dma_wait3A_41] : memref<32x10000xf32, #tpu.memory_space<hbm>> -> memref<1x10000xf32, #tpu.memory_space<hbm>>
      %dma_wait3A_43 = arith.constant 0 : i32
      %dma_wait3A_44 = tpu.memref_slice %arg5[%add3A, %dma_wait3A_43] : memref<32x10000xf32, #tpu.memory_space<hbm>> -> memref<1x10000xf32, #tpu.memory_space<hbm>>
      tpu.wait_dma2 semaphore(%run_scoped3A : memref<!tpu.dma_semaphore, #tpu.memory_space<semaphore_mem>>) src(%arg10 : memref<1x10000xf32, #tpu.memory_space<vmem>>) dst(%dma_wait3A_44 : memref<1x10000xf32, #tpu.memory_space<hbm>>)
      tpu.yield
    }) : () -> ()
    "tpu.region"() ({
      %run_scoped3A = tpu.sem_alloc : memref<!tpu.dma_semaphore, #tpu.memory_space<semaphore_mem>>
      %dma_start3A_37 = arith.constant 0 : i32
      %dma_start3A_38 = tpu.memref_slice %arg6[%add3A, %dma_start3A_37] : memref<32x10000xf32, #tpu.memory_space<hbm>> -> memref<1x10000xf32, #tpu.memory_space<hbm>>
      %dma_start3A_39 = arith.constant 0 : i32
      %dma_start3A_40 = tpu.memref_slice %arg6[%add3A, %dma_start3A_39] : memref<32x10000xf32, #tpu.memory_space<hbm>> -> memref<1x10000xf32, #tpu.memory_space<hbm>>
      tpu.enqueue_dma source(%arg11 : memref<1x10000xf32, #tpu.memory_space<vmem>>) target(%dma_start3A_40 : memref<1x10000xf32, #tpu.memory_space<hbm>>) target_semaphore(%run_scoped3A : memref<!tpu.dma_semaphore, #tpu.memory_space<semaphore_mem>>)
      %dma_wait3A_41 = arith.constant 0 : i32
      %dma_wait3A_42 = tpu.memref_slice %arg6[%add3A, %dma_wait3A_41] : memref<32x10000xf32, #tpu.memory_space<hbm>> -> memref<1x10000xf32, #tpu.memory_space<hbm>>
      %dma_wait3A_43 = arith.constant 0 : i32
      %dma_wait3A_44 = tpu.memref_slice %arg6[%add3A, %dma_wait3A_43] : memref<32x10000xf32, #tpu.memory_space<hbm>> -> memref<1x10000xf32, #tpu.memory_space<hbm>>
      tpu.wait_dma2 semaphore(%run_scoped3A : memref<!tpu.dma_semaphore, #tpu.memory_space<semaphore_mem>>) src(%arg11 : memref<1x10000xf32, #tpu.memory_space<vmem>>) dst(%dma_wait3A_44 : memref<1x10000xf32, #tpu.memory_space<hbm>>)
      tpu.yield
    }) : () -> ()
    "tpu.region"() ({
      %run_scoped3A = tpu.sem_alloc : memref<!tpu.dma_semaphore, #tpu.memory_space<semaphore_mem>>
      %dma_start3A_37 = arith.constant 0 : i32
      %dma_start3A_38 = tpu.memref_slice %arg7[%add3A, %dma_start3A_37] : memref<32x10000xf32, #tpu.memory_space<hbm>> -> memref<1x10000xf32, #tpu.memory_space<hbm>>
      %dma_start3A_39 = arith.constant 0 : i32
      %dma_start3A_40 = tpu.memref_slice %arg7[%add3A, %dma_start3A_39] : memref<32x10000xf32, #tpu.memory_space<hbm>> -> memref<1x10000xf32, #tpu.memory_space<hbm>>
      tpu.enqueue_dma source(%arg12 : memref<1x10000xf32, #tpu.memory_space<vmem>>) target(%dma_start3A_40 : memref<1x10000xf32, #tpu.memory_space<hbm>>) target_semaphore(%run_scoped3A : memref<!tpu.dma_semaphore, #tpu.memory_space<semaphore_mem>>)
      %dma_wait3A_41 = arith.constant 0 : i32
      %dma_wait3A_42 = tpu.memref_slice %arg7[%add3A, %dma_wait3A_41] : memref<32x10000xf32, #tpu.memory_space<hbm>> -> memref<1x10000xf32, #tpu.memory_space<hbm>>
      %dma_wait3A_43 = arith.constant 0 : i32
      %dma_wait3A_44 = tpu.memref_slice %arg7[%add3A, %dma_wait3A_43] : memref<32x10000xf32, #tpu.memory_space<hbm>> -> memref<1x10000xf32, #tpu.memory_space<hbm>>
      tpu.wait_dma2 semaphore(%run_scoped3A : memref<!tpu.dma_semaphore, #tpu.memory_space<semaphore_mem>>) src(%arg12 : memref<1x10000xf32, #tpu.memory_space<vmem>>) dst(%dma_wait3A_44 : memref<1x10000xf32, #tpu.memory_space<hbm>>)
      tpu.yield
    }) : () -> ()
    return
  }
}

module attributes {stable_mosaic.version = 14 : i64} {
  func.func @_tc_combine_body(%arg0: memref<32x10000xf32, #tpu.memory_space<vmem>>, %arg1: memref<32x10000xf32, #tpu.memory_space<vmem>>, %arg2: memref<32x10000xf32, #tpu.memory_space<vmem>>, %arg3: memref<10000xf32, #tpu.memory_space<vmem>>, %arg4: memref<10000xf32, #tpu.memory_space<vmem>>, %arg5: memref<2x128xf32, #tpu.memory_space<vmem>>, %arg6: memref<128xf32, #tpu.memory_space<vmem>>, %arg7: memref<128x128xf32, #tpu.memory_space<vmem>>, %arg8: memref<128x128xf32, #tpu.memory_space<vmem>>, %arg9: memref<128xf32, #tpu.memory_space<vmem>>, %arg10: memref<10000x128xf32, #tpu.memory_space<vmem>>) attributes {dimension_semantics = [], scalar_prefetch = 0 : i64, scratch_operands = 0 : i64, tpu.core_type = #tpu.core_type<tc>} {
    %get3A = arith.constant 0 : index
    %get3A_0 = arith.constant 0 : index
    %get3A_1 = vector.load %arg0[%get3A, %get3A_0] : memref<32x10000xf32, #tpu.memory_space<vmem>>, vector<32x10000xf32>
    %reduce_sum3A = arith.constant dense<0.000000e+00> : vector<10000xf32>
    %reduce_sum3A_2 = vector.multi_reduction <add>, %get3A_1, %reduce_sum3A [0] : vector<32x10000xf32> to vector<10000xf32>
    %broadcast_in_dim3A = vector.shape_cast %reduce_sum3A_2 : vector<10000xf32> to vector<1x10000xf32>
    %get3A_3 = arith.constant 0 : index
    %get3A_4 = arith.constant 0 : index
    %get3A_5 = vector.load %arg1[%get3A_3, %get3A_4] : memref<32x10000xf32, #tpu.memory_space<vmem>>, vector<32x10000xf32>
    %reduce_sum3A_6 = arith.constant dense<0.000000e+00> : vector<10000xf32>
    %reduce_sum3A_7 = vector.multi_reduction <add>, %get3A_5, %reduce_sum3A_6 [0] : vector<32x10000xf32> to vector<10000xf32>
    %broadcast_in_dim3A_8 = vector.shape_cast %reduce_sum3A_7 : vector<10000xf32> to vector<1x10000xf32>
    %get3A_9 = arith.constant 0 : index
    %get3A_10 = arith.constant 0 : index
    %get3A_11 = vector.load %arg2[%get3A_9, %get3A_10] : memref<32x10000xf32, #tpu.memory_space<vmem>>, vector<32x10000xf32>
    %reduce_sum3A_12 = arith.constant dense<0.000000e+00> : vector<10000xf32>
    %reduce_sum3A_13 = vector.multi_reduction <add>, %get3A_11, %reduce_sum3A_12 [0] : vector<32x10000xf32> to vector<10000xf32>
    %broadcast_in_dim3A_14 = vector.shape_cast %reduce_sum3A_13 : vector<10000xf32> to vector<1x10000xf32>
    %max3A = arith.constant 1.000000e+00 : f32
    %max3A_15 = vector.broadcast %max3A : f32 to vector<1x10000xf32>
    %max3A_16 = arith.maximumf %broadcast_in_dim3A_14, %max3A_15 : vector<1x10000xf32>
    %div3A = arith.constant 1.000000e+00 : f32
    %div3A_17 = vector.broadcast %div3A : f32 to vector<1x10000xf32>
    %div3A_18 = arith.divf %div3A_17, %max3A_16 : vector<1x10000xf32>
    %get3A_19 = arith.constant 0 : index
    %get3A_20 = vector.load %arg6[%get3A_19] : memref<128xf32, #tpu.memory_space<vmem>>, vector<128xf32>
    %reshape3A = vector.shape_cast %get3A_20 : vector<128xf32> to vector<1x128xf32>
    %get3A_21 = arith.constant 0 : index
    %get3A_22 = vector.load %arg3[%get3A_21] : memref<10000xf32, #tpu.memory_space<vmem>>, vector<10000xf32>
    %reshape3A_23 = vector.shape_cast %get3A_22 : vector<10000xf32> to vector<1x10000xf32>
    %get3A_24 = arith.constant 0 : index
    %get3A_25 = vector.load %arg4[%get3A_24] : memref<10000xf32, #tpu.memory_space<vmem>>, vector<10000xf32>
    %reshape3A_26 = vector.shape_cast %get3A_25 : vector<10000xf32> to vector<1x10000xf32>
    %mul3A = arith.mulf %broadcast_in_dim3A, %div3A_18 : vector<1x10000xf32>
    %mul3A_27 = arith.mulf %broadcast_in_dim3A_8, %div3A_18 : vector<1x10000xf32>
    %mul3A_28 = arith.mulf %broadcast_in_dim3A_14, %div3A_18 : vector<1x10000xf32>
    %concatenate3A = tpu.concatenate %reshape3A_23, %reshape3A_26, %mul3A, %mul3A_27, %mul3A_28 in 0 : vector<1x10000xf32>, vector<1x10000xf32>, vector<1x10000xf32>, vector<1x10000xf32>, vector<1x10000xf32> -> vector<5x10000xf32>
    %get3A_29 = arith.constant 0 : index
    %get3A_30 = arith.constant 0 : index
    %get3A_31 = vector.load %arg5[%get3A_29, %get3A_30] : memref<2x128xf32, #tpu.memory_space<vmem>>, vector<2x128xf32>
    %get3A_32 = arith.constant 0 : index
    %get3A_33 = arith.constant 0 : index
    %get3A_34 = vector.load %arg7[%get3A_32, %get3A_33] : memref<128x128xf32, #tpu.memory_space<vmem>>, vector<128x128xf32>
    %dot_general3A = arith.constant dense<0.000000e+00> : vector<2x128xf32>
    %dot_general3A_35 = tpu.matmul %get3A_31, %get3A_34, %dot_general3A {dimension_numbers = #tpu.dot_dimension_numbers<[1], [0], [0], [1], [0, 0, 1, 1], [], []>, transpose_lhs_hint = false} : vector<2x128xf32>, vector<128x128xf32>, vector<2x128xf32> -> vector<2x128xf32>
    %get3A_36 = arith.constant 0 : index
    %get3A_37 = arith.constant 0 : index
    %get3A_38 = vector.load %arg5[%get3A_36, %get3A_37] : memref<2x128xf32, #tpu.memory_space<vmem>>, vector<2x128xf32>
    %concatenate3A_39 = tpu.concatenate %get3A_38, %reshape3A in 0 : vector<2x128xf32>, vector<1x128xf32> -> vector<3x128xf32>
    %get3A_40 = arith.constant 0 : index
    %get3A_41 = arith.constant 0 : index
    %get3A_42 = vector.load %arg8[%get3A_40, %get3A_41] : memref<128x128xf32, #tpu.memory_space<vmem>>, vector<128x128xf32>
    %dot_general3A_43 = arith.constant dense<0.000000e+00> : vector<3x128xf32>
    %dot_general3A_44 = tpu.matmul %concatenate3A_39, %get3A_42, %dot_general3A_43 {dimension_numbers = #tpu.dot_dimension_numbers<[1], [0], [0], [1], [0, 0, 1, 1], [], []>, transpose_lhs_hint = false} : vector<3x128xf32>, vector<128x128xf32>, vector<3x128xf32> -> vector<3x128xf32>
    %concatenate3A_45 = tpu.concatenate %dot_general3A_35, %dot_general3A_44 in 0 : vector<2x128xf32>, vector<3x128xf32> -> vector<5x128xf32>
    %get3A_46 = arith.constant 0 : index
    %get3A_47 = arith.constant 0 : index
    %get3A_48 = vector.load %arg7[%get3A_46, %get3A_47] : memref<128x128xf32, #tpu.memory_space<vmem>>, vector<128x128xf32>
    %dot_general3A_49 = arith.constant dense<0.000000e+00> : vector<1x128xf32>
    %dot_general3A_50 = tpu.matmul %reshape3A, %get3A_48, %dot_general3A_49 {dimension_numbers = #tpu.dot_dimension_numbers<[1], [0], [0], [1], [0, 0, 1, 1], [], []>, transpose_lhs_hint = false} : vector<1x128xf32>, vector<128x128xf32>, vector<1x128xf32> -> vector<1x128xf32>
    %get3A_51 = arith.constant 0 : index
    %get3A_52 = vector.load %arg9[%get3A_51] : memref<128xf32, #tpu.memory_space<vmem>>, vector<128xf32>
    %reshape3A_53 = vector.shape_cast %get3A_52 : vector<128xf32> to vector<1x128xf32>
    %add3A = arith.addf %dot_general3A_50, %reshape3A_53 : vector<1x128xf32>
    %dot_general3A_54 = arith.constant dense<0.000000e+00> : vector<10000x128xf32>
    %dot_general3A_55 = tpu.matmul %concatenate3A, %concatenate3A_45, %dot_general3A_54 {dimension_numbers = #tpu.dot_dimension_numbers<[0], [0], [1], [1], [0, 1, 1, 1], [], []>, transpose_lhs_hint = false} : vector<5x10000xf32>, vector<5x128xf32>, vector<10000x128xf32> -> vector<10000x128xf32>
    %add3A_56 = vector.broadcast %add3A : vector<1x128xf32> to vector<10000x128xf32>
    %add3A_57 = arith.addf %dot_general3A_55, %add3A_56 : vector<10000x128xf32>
    %swap3A = arith.constant 0 : index
    %swap3A_58 = arith.constant 0 : index
    %swap3A_59 = vector.load %arg10[%swap3A, %swap3A_58] : memref<10000x128xf32, #tpu.memory_space<vmem>>, vector<10000x128xf32>
    tpu.vector_store %arg10[%swap3A, %swap3A_58], %add3A_57 {strides = array<i32>} : memref<10000x128xf32, #tpu.memory_space<vmem>>, vector<10000x128xf32>,
    return
  }
}

</mosaic_0001>

<sc_bundles>
// kernel: kernel.4.cloned.1.call-start
scs
__scs_entry_jumppad:
0x0: {  	(pc) =	sbr.rel $0x88, $3  }
0x1: {  	(tag) =	ssettag $0x0;
	lr =	simm.s32 $0x1  }
0x2: {  	[smem:$0x3F99] =	sst lr;
	_ =	strace $0xD0000000  }
0x3: {  	_ = 	snop  }
0x4: {  	_ = 	snop  }
0x5: {  	_ = 	snop  }
0x6: {  	_ = 	snop  }
0x7: {  	_ = 	snop  }
__scs_overlays_trampoline_lowered:
0x8: {  	[smem:$0x3FA8] =	sst s0  }
0x9: {  	[smem:$0x3FA9] =	sst s1  }
0xa: {  	[smem:$0x3FAA] =	sst s2  }
0xb: {  	[smem:$0x3FAB] =	sst s3  }
0xc: {  	[smem:$0x3FAC] =	sst s4  }
0xd: {  	[smem:$0x3FAD] =	sst s5  }
0xe: {  	[smem:$0x3FAE] =	sst s6  }
0xf: {  	[smem:$0x3FAF] =	sst s7  }
0x10: {  	[smem:$0x3FB0] =	sst s8  }
0x11: {  	[smem:$0x3FB1] =	sst s9;
	s0 =	simm.s32 @!p0 $0x0  }
0x12: {  	s1 =	sld [smem:$0x3F97];
	s0 =	simm.s32 @p0 $0x1  }
0x13: {  	[smem:$0x3FB2] =	sst s0;
	s0 =	simm.s32 @!p1 $0x0  }
0x14: {  	s2 =	sld [smem:$0x3F96];
	s0 =	simm.s32 @p1 $0x1  }
0x15: {  	[smem:$0x3FB3] =	sst s0;
	s0 =	simm.s32 @!p2 $0x0  }
0x16: {  	s3 =	sld [smem:$0x3FDB];
	s0 =	simm.s32 @p2 $0x1  }
0x17: {  	s4 =	simm.s32 $0x1BF5;
	[smem:$0x3FB5] =	sst s0  }
0x18: {  	s0 =	sld [smem:$0x3F98];
	_ =	swait.ge [sflag:s4], $0x0  }
0x19: {  	s7 =	sld [smem:$0x3F99]  }
0x1a: {  	s8 =	sadd.s32 $0xFFFFE003, lr  }
0x1b: {  	s9 =	sadd.s32 $0xFFFFFEF7, lr;
	s5 =	simm.s32 $0xFFFFFFFF;
	p2 =	slt.u32 s8, $0xFFFFF086  }
0x1c: {  	p1 =	slt.u32 s9, $0xF7A;
	s5 =	simm.s32 @!p2 $0x0  }
0x1d: {  	s5 =	simm.s32 @p1 $0x1;
	p0 =	seq.s32 s7, s2  }
0x1e: {  	s7 =	smul.u32 @!p0 $0xF7A, s2;
	p2 =	seq.s32 @!p0 s5, $0x0  }
0x1f: {  	s9 =	smul.u32 $0xF7A, s1;
	s8 =	simm.s32 @!p0 $0x1BF5;
	p2 =	por !p2, p0  }
0x20: {  	[sflag:s8] =	ssyncset.s32 @!p0 $0xFFFFF086;
	s6 =	sadd.s32 @!p0 s3, s7;
	s7 =	simm.s32 @!p0 $0x108  }
0x21: {  	s3 =	sadd.s32 s3, s9;
	s6 =	sadd.s32 @!p0 $0x88, s6;
	s7 =	simm.s32 @p2 $0x1082  }
0x22: {  	[simem:s7], [sflag:s8] =	dma.local @!p0 [hbm:s6], $0xF7A  }
0x23: {  	s9 =	sor.u32 $0xD0000000, s2;
	s6 =	simm.s32 $0x108;
	_ =	swait.ge @!p0 [sflag:s8], $0x0  }
0x24: {  	s3 =	sadd.s32 $0x88, s3;
	s6 =	simm.s32 @!p1 $0x1082;
	[sflag:s4] =	ssyncset.s32 $0xFFFFF086  }
0x25: {  	[simem:s6], [sflag:s4] =	dma.local [hbm:s3], $0xF7A  }
0x26: {  	[smem:$0x3F99] =	sst s1;
	(tag) =	ssettag s2;
	_ =	strace s9  }
0x27: {  	s1 =	sld [smem:$0x3FA9]  }
0x28: {  	s2 =	sld [smem:$0x3FAA]  }
0x29: {  	s4 =	sld [smem:$0x3FAC]  }
0x2a: {  	p0 =	seq.s32 s5, $0x0;
	s5 =	sld [smem:$0x3FAD]  }
0x2b: {  	s6 =	sld [smem:$0x3FAE]  }
0x2c: {  	s7 =	sld [smem:$0x3FAF]  }
0x2d: {  	s3 =	simm.s32 $0x108;
	s8 =	sld [smem:$0x3FB0]  }
0x2e: {  	s3 =	simm.s32 @!p0 $0x1082;
	s9 =	sld [smem:$0x3FB1]  }
0x2f: {  	lr =	sadd.s32 s0, s3;
	s0 =	sld [smem:$0x3FA8]  }
0x30: {  	s3 =	sld [smem:$0x3FAB]  }
0x31: {  	[smem:$0x3FB4] =	sst s10  }
0x32: {  	s10 =	sld [smem:$0x3FB2];
	_ =	sdelay $0x3  }
0x33: {  	p0 =	seq.s32 s10, $0x1;
	s10 =	sld [smem:$0x3FB4];
	_ =	sdelay $0x3  }
0x34: {  	[smem:$0x3FB4] =	sst s10  }
0x35: {  	s10 =	sld [smem:$0x3FB3];
	_ =	sdelay $0x3  }
0x36: {  	p1 =	seq.s32 s10, $0x1;
	s10 =	sld [smem:$0x3FB4];
	_ =	sdelay $0x3  }
0x37: {  	[smem:$0x3FB4] =	sst s10  }
0x38: {  	s10 =	sld [smem:$0x3FB5]  }
0x39: {  	_ = 	snop;
	(pc) =	sbr.ind lr, $3  }
0x3a: {  	_ = 	snop  }
0x3b: {  	_ = 	snop  }
0x3c: {  	p2 =	seq.s32 s10, $0x1;
	s10 =	sld [smem:$0x3FB4]  }
0x3d: {  	_ =	shalt  }
0x3e: {  	_ =	shalt  }
0x3f: {  	_ =	shalt  }
0x40: {  	_ =	shalt  }
0x41: {  	_ =	shalt  }
0x42: {  	_ =	shalt  }
0x43: {  	_ =	shalt  }
0x44: {  	_ =	shalt  }
0x45: {  	_ =	shalt  }
0x46: {  	_ =	shalt  }
0x47: {  	_ =	shalt  }
0x48: {  	_ =	shalt  }
0x49: {  	_ =	shalt  }
0x4a: {  	_ =	shalt  }
0x4b: {  	_ =	shalt  }
0x4c: {  	_ =	shalt  }
0x4d: {  	_ =	shalt  }
0x4e: {  	_ =	shalt  }
0x4f: {  	_ =	shalt  }
0x50: {  	_ =	shalt  }
0x51: {  	_ =	shalt  }
0x52: {  	_ =	shalt  }
0x53: {  	_ =	shalt  }
0x54: {  	_ =	shalt  }
0x55: {  	_ =	shalt  }
0x56: {  	_ =	shalt  }
0x57: {  	_ =	shalt  }
0x58: {  	_ =	shalt  }
0x59: {  	_ =	shalt  }
0x5a: {  	_ =	shalt  }
0x5b: {  	_ =	shalt  }
0x5c: {  	_ =	shalt  }
0x5d: {  	_ =	shalt  }
0x5e: {  	_ =	shalt  }
0x5f: {  	_ =	shalt  }
0x60: {  	_ =	shalt  }
0x61: {  	_ =	shalt  }
0x62: {  	_ =	shalt  }
0x63: {  	_ =	shalt  }
0x64: {  	_ =	shalt  }
0x65: {  	_ =	shalt  }
0x66: {  	_ =	shalt  }
0x67: {  	_ =	shalt  }
0x68: {  	_ =	shalt  }
0x69: {  	_ =	shalt  }
0x6a: {  	_ =	shalt  }
0x6b: {  	_ =	shalt  }
0x6c: {  	_ =	shalt  }
0x6d: {  	_ =	shalt  }
0x6e: {  	_ =	shalt  }
0x6f: {  	_ =	shalt  }
0x70: {  	_ =	shalt  }
0x71: {  	_ =	shalt  }
0x72: {  	_ =	shalt  }
0x73: {  	_ =	shalt  }
0x74: {  	_ =	shalt  }
0x75: {  	_ =	shalt  }
0x76: {  	_ =	shalt  }
0x77: {  	_ =	shalt  }
0x78: {  	_ =	shalt  }
0x79: {  	_ =	shalt  }
0x7a: {  	_ =	shalt  }
0x7b: {  	_ =	shalt  }
0x7c: {  	_ =	shalt  }
0x7d: {  	_ =	shalt  }
0x7e: {  	_ =	shalt  }
0x7f: {  	_ =	shalt  }
0x80: {  	_ =	shalt  }
0x81: {  	_ =	shalt  }
0x82: {  	_ =	shalt  }
0x83: {  	_ =	shalt  }
0x84: {  	_ =	shalt  }
0x85: {  	_ =	shalt  }
0x86: {  	_ =	shalt  }
0x87: {  	_ =	shalt  }
.Lfunc_end0:
.L_simem_size_0:
called_computation_lowered:
.L_overlay_start_0:
0x88: {  	s2 =	sld [smem:$0x3FD9]  }
0x89: {  	s3 =	sld [smem:$0x3FFE];
	_ =	sdelay $0x1  }
0x8a: {  	s1 =	srdreg.scid  }
0x8b: {  	s0 =	sand.u32 $0x1, s1  }
0x8c: {  	s17 =	sshll.u32 s0, $0xA;
	s2 =	sadd.s32 s3, s2  }
0x8d: {  	s2 =	sadd.s32 s2, s17  }
0x8e: {  	[smem:$0x3FC0] =	sst s2  }
0x8f: {  	_ = 	snop  }
0x90: {  	s2 =	sld [smem:$0x3FC9]  }
0x91: {  	s18 =	sld [smem:$0x3FC8]  }
0x92: {  	s4 =	sld [smem:$0x3FC7]  }
0x93: {  	s5 =	sld [smem:$0x3FD0];
	(tm) =	ssettm $0x1  }
0x94: {  	s6 =	sld [smem:$0x3FFB];
	_ =	sdelay $0x3  }
0x95: {  	_ =	strace s6  }
0x96: {  	s6 =	sld [smem:$0x3FFC];
	_ =	sdelay $0x3  }
0x97: {  	_ =	strace s6  }
0x98: {  	s6 =	sld [smem:$0x3FFD];
	_ =	sdelay $0x3  }
0x99: {  	_ =	strace s6  }
0x9a: {  	_ =	strace $0x8FFFFFFF  }
0x9b: {  	s19 =	sld [smem:$0x3FDB];
	_ =	sdelay $0x1  }
0x9c: {  	s7 =	simm.s32 $_scs_section_size  }
0x9d: {  	s8 =	simm.s32 $_size__tile_overlayer_lowered;
	s9 =	simm.s32 $_tile_overlayer_lowered  }
0x9e: {  	s22 =	simm.s32 $0x1BFF;
	s21 =	sshll.u32 s9, $0x1;
	s6 =	sadd.s32 s7, s19  }
0x9f: {  	s10 =	simm.s32 $0x0;
	s20 =	sshll.u32 s8, $0x1;
	s8 =	sadd.s32 s21, s6  }
0xa0: {  	[timem:s10], [sflag:s22] =	dma.local [hbm:s8], s20  }
0xa1: {  	_ =	swait.ge [sflag:s22], s20  }
0xa2: {  	s7 =	ssub.s32 $0x0, s20;
	[sflag:s22] =	ssyncset.done $0x0  }
0xa3: {  	[sflag:s22] =	ssyncadd.s32 s7;
	_ =	sdelay $0x1  }
0xa4: {  	s23 =	simm.s32 $0x1B8B  }
0xa5: {  	_ =	swait.ge [sflag:s23], $0x1  }
0xa6: {  	[sflag:s23] =	ssyncset.done $0x0  }
0xa7: {  	s25 =	simm.s32 $0x1B8E;
	s24 =	sld [smem:$0x3FFE];
	[sflag:s23] =	ssyncadd.s32 $0xFFFFFFFF  }
0xa8: {  	s26 =	simm.s32 $execute0_lowered;
	[smem:$0x3FD2] =	sst s25  }
0xa9: {  	s8 =	sshll.u32 s26, $0x1;
	_ =	strace $0x80000046;
	[dreg:$0x1] =	wrdreg $0xFFFFFFFF  }
0xaa: {  	s28 =	simm.s32 $_size_execute0_lowered;
	s6 =	sadd.s32 s6, s8;
	[dreg:$0x0] =	wrdreg $0x0  }
0xab: {  	s8 =	sshll.u32 s28, $0x1;
	[dreg:$0x2] =	wrdreg s6  }
0xac: {  	[dreg:$0x3] =	wrdreg s8  }
0xad: {  	[dreg:$0x4] =	wrdreg $0xC0  }
0xae: {  	_ =	task [dreg:s10], $0x5FFFF  }
0xaf: {  	[dreg:$0x1] =	wrdreg $0xFFFFFFFF  }
0xb0: {  	[dreg:$0x0] =	wrdreg $0x60  }
0xb1: {  	[dreg:$0x2] =	wrdreg s4  }
0xb2: {  	[dreg:$0x3] =	wrdreg s2  }
0xb3: {  	[dreg:$0x4] =	wrdreg s18  }
0xb4: {  	[dreg:$0x5] =	wrdreg s5  }
0xb5: {  	[dreg:$0x6] =	wrdreg s24  }
0xb6: {  	[dreg:$0x7] =	wrdreg $0x9  }
0xb7: {  	_ =	task.clear_ibuf [dreg:s10], $0x8FFFF;
	_ =	strace $0x90000046  }
0xb8: {  	s29 =	simm.s32 $0x9;
	_ =	strace $0x80000048  }
0xb9: {  	_ =	swait.ge [sflag:s29], $0x1  }
0xba: {  	[sflag:s29] =	ssyncadd.s32 $0xFFFFFFFF  }
0xbb: {  	_ =	strace $0x90000048  }
0xbc: {  	_ =	sfence  }
0xbd: {  	s30 =	sld [smem:$0x0];
	_ =	sdelay $0x2  }
0xbe: {  	s31 =	sshll.u32 s1, $0xD;
	s1 =	sshrl.u32 s1, $0x2  }
0xbf: {  	s3 =	sand.u32 $0x4000, s31;
	s1 =	sadd.s32 s1, s30  }
0xc0: {  	s0 =	sor.u32 s3, s0;
	s1 =	sshll.u32 s1, $0x11  }
0xc1: {  	s0 =	sor.u32 s1, s0  }
0xc2: {  	s0 =	sadd.s32 $0x8F2B, s0  }
0xc3: {  	[sflag:s0] =	ssyncadd.remote.s32 $0x1  }
0xc4: {  	_ =	sfence.sel $0xFFFF  }
0xc5: {  	[dreg:$0x0] =	wrdreg $0xFFFFFFFF;
	(pc) =	sbr.abs _section_cstart, $3  }
0xc6: {  	[dreg:$0x1] =	wrdreg $0xFFFFFFFF  }
0xc7: {  	_ =	task.clear_ibuf [dreg:s10], $0x2FFFF;
	_ =	strace $0x9FFFFFFF  }
0xc8: {  	(tm) =	ssettm $0x7FFFFFFF  }
0xc9: {  	_ =	shalt  }
tec
execute0_lowered:
.L_overlay_start_1:
0x0: {  	(tag) =	ssettag $0x1  }
0x1: {  	s5 =	rddreg [dreg:$0x0]  }
0x2: {  	s1 =	rddreg [dreg:$0x1]  }
0x3: {  	s2 =	rddreg [dreg:$0x2]  }
0x4: {  	s3 =	srdreg.scid;
	s7 =	rddreg [dreg:$0x3]  }
0x5: {  	s0 =	stileid.u32;
	s8 =	rddreg [dreg:$0x4]  }
0x6: {  	s17 =	simm.s32 $0x2;
	s18 =	simm.s32 $0x3;
	s13 =	smul.u32 $0x4E20, s0  }
0x7: {  	s19 =	simm.s32 $0x4F00;
	s22 =	sshrl.u32 s0, $0x2;
	s28 =	smul.u32 $0x9C40, s0  }
0x8: {  	s11 =	sand.u32 $0x1, s3;
	s21 =	sshll.u32 s0, $0x1;
	s9 =	smul.u32 $0x13C00, s22  }
0x9: {  	s20 =	simm.s32 $0x7680;
	s6 =	sor.u32 s11, s21;
	s16 =	smul.u32 $0x2710, s11  }
0xa: {  	s12 =	ssub.s32 $0x2, s11;
	s11 =	smul.u32 $0x4E20, s11;
	s21 =	simm.s32 $0x9E00  }
0xb: {  	s22 =	simm.s32 $0x80;
	s4 =	sshll.u32 s6, $0x7;
	s6 =	smul.u32 $0x2710, s6  }
0xc: {  	s14 =	sshrl.u32 s12, $0x1;
	s10 =	sand.u32 $0x380, s4;
	s4 =	simm.s32 $0x0  }
0xd: {  	s12 =	ssub.s32 s12, s14;
	s13 =	sadd.s32 s16, s13;
	s16 =	simm.s32 $0x1  }
0xe: {  	s9 =	sor.u32 s9, s10;
	[smem:$0x7FF] =	sst s4;
	s24 =	sand.u32 $0x7FF80, s6  }
0xf: {  	s26 =	sand.u32 $0xFFF80, s13;
	s10 =	smax.u32 s12, $0x1;
	s9 =	sshrl.u32 s9, $0x3  }
0x10: {  	_ =	strace $0x80000047;
	s29 =	smin.u32 s26, $0x4B980;
	s23 =	sadd.s32 s9, s8  }
0x11: {  	s8 =	smin.u32 s24, $0x4B980;
	s7 =	sadd.s32 s7, s9;
	s30 =	sshll.u32 s29, $0x1  }
0x12: {  	s13 =	ssub.s32 s13, s29;
	s24 =	simm.s32 $0x4;
	s15 =	ssub.s32 s6, s8  }
0x13: {  	s8 =	sshrl.u32 s8, $0x2;
	s6 =	sand.u32 $0x70, s6;
	s9 =	sadd.s32 $0xBA00, s23  }
0x14: {  	s31 =	ssub.s32 s28, s30;
	s13 =	sadd.s32 $0x10, s13;
	s25 =	sshll.u32 s15, $0x1  }
0x15: {  	s5 =	sadd.s32 s5, s8;
	s8 =	sadd.s32 $0x1C00, s23;
	s12 =	sor.u32 $0x20, s31  }
0x16: {  	s15 =	simm.s32 $0x2780;
	s23 =	simm.s32 $0x400;
	s14 =	sand.u32 $0xFFFFFF00, s25  }
0x17: {  	v0 =	vimm.f32 $0.0e+00;
	v1 =	vimm.f32 $1.000000000e+00;
	s25 =	simm.s32 $0x0;
	s6 =	sor.u32 s6, s14;
	s14 =	simm.s32 $0xC580  }
.LBB2_1:
0x18: {  	[tilespmem:s14], [sflag:$0x1] =	stream.linear.gather [hbm4b:s5+s4], $0x5100, $0x38;
	[tilespmem:$0x11680] =	vst v63  }
0x19: {  	_ = 	snop  }
0x1a: {  	[tilespmem:s4], [sflag:$0x2] =	stream.linear.gather [hbm4b:s1+s4], $0x2780, $0x38;
	[tilespmem:$0x11680] =	vst v63  }
0x1b: {  	s26 =	simm.s32 $0x40;
	s28 =	simm.s32 $0x0  }
0x1c: {  	[tilespmem:s15], [sflag:$0x3] =	stream.linear.gather [hbm4b:s2+s4], $0x2780, $0x38;
	[tilespmem:$0x11680] =	vst v63  }
.LBB2_2:
0x1d: {  	p0 =	sne.s32 s26, $0x9C00;
	[tilespmem:s28+$0x9E00] =	vst v0;
	s29 =	smov.u32 s26;
	s26 =	sadd.s32 $0x40, s26  }
.Ltmp0:
0x1e: {  	[tilespmem:s28+$0x4F00] =	vst v0;
	(pc) =	sbr.rel @p0 .LBB2_2-.Ltmp0, $2  }
0x1f: {  	[tilespmem:s28+$0x7680] =	vst v0;
	_ =	sdelay $0x2  }
0x20: {  	s28 =	sshra.s32 s29, $0x2  }
0x21: {  	[tilespmem:s28+$0x9E00] =	vst v0  }
0x22: {  	[tilespmem:s28+$0x4F00] =	vst v0  }
0x23: {  	[tilespmem:s28+$0x7680] =	vst v0  }
0x24: {  	_ =	swait.ge [sflag:s16], $0x5100  }
0x25: {  	[sflag:s16] =	ssyncset.done $0x0  }
0x26: {  	[sflag:s16] =	ssyncadd.s32 $0xFFFFAF00  }
0x27: {  	_ =	swait.ge [sflag:s17], $0x2780  }
0x28: {  	[sflag:s17] =	ssyncset.done $0x0  }
0x29: {  	s26 =	sadd.s32 s12, s11;
	s28 =	sadd.s32 $0xFFFFFFF0, s13;
	[sflag:s17] =	ssyncadd.s32 $0xFFFFD880  }
0x2a: {  	s29 =	sadd.s32 $0xFFFFFFE0, s26;
	s28 =	sand.u32 $0x70, s28;
	_ =	swait.ge [sflag:s18], $0x2780  }
0x2b: {  	s26 =	sand.u32 $0xFFFFFF00, s26;
	s29 =	sand.u32 $0xFFFFFF00, s29;
	[sflag:s18] =	ssyncset.done $0x0  }
0x2c: {  	s28 =	sor.u32 s28, s29;
	s29 =	sand.u32 $0x70, s13;
	[sflag:s18] =	ssyncadd.s32 $0xFFFFD880  }
0x2d: {  	s26 =	sor.u32 s29, s26;
	v6 =	vld [tilespmem:s28+$0xC580]  }
0x2e: {  	v7 =	vld [tilespmem:s26+$0xC580]  }
0x2f: {  	s29 =	sadd.s32 $0x40, s12;
	v3 =	vld [tilespmem:s28+$0xC600]  }
0x30: {  	v2 =	vld [tilespmem:s26+$0xC600];
	s28 =	sadd.s32 s29, s11;
	s26 =	sadd.s32 $0x20, s13  }
0x31: {  	s30 =	sadd.s32 $0xFFFFFFF0, s26;
	s31 =	sadd.s32 $0xFFFFFFE0, s28  }
0x32: {  	s30 =	sand.u32 $0x70, s30;
	s31 =	sand.u32 $0xFFFFFF00, s31  }
0x33: {  	s30 =	sor.u32 s30, s31  }
0x34: {  	v5 =	vld [tilespmem:s30+$0xC580]  }
0x35: {  	v8 =	vld.idx.msk [tilespmem:v6+s4+$0x0], $0xffff  }
0x36: {  	v9 =	vld.idx.msk [tilespmem:v7+s4+$0x0], $0xffff  }
0x37: {  	s28 =	sand.u32 $0xFFFFFF00, s28;
	s3 =	sand.u32 $0x70, s26  }
0x38: {  	s3 =	sor.u32 s3, s28  }
0x39: {  	v4 =	vld [tilespmem:s3+$0xC580]  }
0x3a: {  	[tilespmem:v3+s19+$0x0] =	vst.idx.add.f32.msk $0xffff, v8  }
0x3b: {  	[tilespmem:v2+s19+$0x0] =	vst.idx.add.f32.msk $0xffff, v9  }
0x3c: {  	v10 =	vld.idx.msk [tilespmem:v6+s15+$0x0], $0xffff  }
0x3d: {  	v8 =	vld.idx.msk [tilespmem:v5+s4+$0x0], $0xffff  }
0x3e: {  	v9 =	vld.idx.msk [tilespmem:v7+s15+$0x0], $0xffff  }
0x3f: {  	v7 =	vld [tilespmem:s30+$0xC600]  }
0x40: {  	v6 =	vld [tilespmem:s3+$0xC600]  }
0x41: {  	s29 =	sadd.s32 $0x40, s29;
	s28 =	simm.s32 $0x2;
	[tilespmem:v3+s20+$0x0] =	vst.idx.add.f32.msk $0xffff, v10  }
.LBB2_4:
0x42: {  	s3 =	sadd.s32 s29, s11;
	s26 =	sadd.s32 $0x20, s26;
	[tilespmem:v3+s21+$0x0] =	vst.idx.add.f32.msk $0xffff, v1  }
0x43: {  	s30 =	sadd.s32 $0xFFFFFFF0, s26;
	s31 =	sadd.s32 $0xFFFFFFE0, s3;
	s3 =	sand.u32 $0xFFFFFF00, s3;
	v10 =	vld.idx.msk [tilespmem:v4+s4+$0x0], $0xffff  }
0x44: {  	s0 =	sand.u32 $0x70, s26;
	s30 =	sand.u32 $0x70, s30;
	s31 =	sand.u32 $0xFFFFFF00, s31;
	[tilespmem:v2+s20+$0x0] =	vst.idx.add.f32.msk $0xffff, v9;
	v3 =	vmov v7  }
0x45: {  	s28 =	sadd.s32 $0x2, s28;
	s0 =	sor.u32 s0, s3;
	s30 =	sor.u32 s30, s31;
	[tilespmem:v2+s21+$0x0] =	vst.idx.add.f32.msk $0xffff, v1;
	v2 =	vmov v6  }
0x46: {  	p0 =	slt.u32 s28, $0x26E;
	v11 =	vld [tilespmem:s30+$0xC580]  }
0x47: {  	v12 =	vld [tilespmem:s0+$0xC580]  }
0x48: {  	[tilespmem:v7+s19+$0x0] =	vst.idx.add.f32.msk $0xffff, v8  }
0x49: {  	v13 =	vld.idx.msk [tilespmem:v5+s15+$0x0], $0xffff  }
0x4a: {  	v6 =	vld [tilespmem:s0+$0xC600]  }
.Ltmp1:
0x4b: {  	[tilespmem:v2+s19+$0x0] =	vst.idx.add.f32.msk $0xffff, v10;
	v5 =	vmov v11;
	(pc) =	sbr.rel @p0 .LBB2_4-.Ltmp1, $4  }
0x4c: {  	v9 =	vld.idx.msk [tilespmem:v4+s15+$0x0], $0xffff;
	v4 =	vmov v12  }
0x4d: {  	v7 =	vld [tilespmem:s30+$0xC600]  }
0x4e: {  	v8 =	vld.idx.msk [tilespmem:v11+s4+$0x0], $0xffff  }
0x4f: {  	s29 =	sadd.s32 $0x40, s29;
	[tilespmem:v3+s20+$0x0] =	vst.idx.add.f32.msk $0xffff, v13  }
0x50: {  	_ =	sdelay $0x3  }
0x51: {  	v10 =	vld.idx.msk [tilespmem:v4+s4+$0x0], $0xffff;
	_ =	sdelay $0x1  }
0x52: {  	[tilespmem:v3+s21+$0x0] =	vst.idx.add.f32.msk $0xffff, v1  }
0x53: {  	[tilespmem:v7+s19+$0x0] =	vst.idx.add.f32.msk $0xffff, v8  }
0x54: {  	v3 =	vld.idx.msk [tilespmem:v5+s15+$0x0], $0xffff  }
0x55: {  	[tilespmem:v6+s19+$0x0] =	vst.idx.add.f32.msk $0xffff, v10  }
0x56: {  	v63 =	vld.idx.msk [tilespmem:v4+s15+$0x0], $0xffff  }
0x57: {  	[tilespmem:v2+s20+$0x0] =	vst.idx.add.f32.msk $0xffff, v9  }
0x58: {  	[tilespmem:v2+s21+$0x0] =	vst.idx.add.f32.msk $0xffff, v1  }
0x59: {  	[tilespmem:v7+s20+$0x0] =	vst.idx.add.f32.msk $0xffff, v3  }
0x5a: {  	[tilespmem:v7+s21+$0x0] =	vst.idx.add.f32.msk $0xffff, v1  }
0x5b: {  	[tilespmem:v6+s20+$0x0] =	vst.idx.add.f32.msk $0xffff, v63  }
0x5c: {  	[tilespmem:v6+s21+$0x0] =	vst.idx.add.f32.msk $0xffff, v1  }
0x5d: {  	v2 =	vld [tilespmem:s6+$0x11380];
	_ =	sdelay $0x4  }
0x5e: {  	v3 =	vld [tilespmem:s6+$0x11400];
	_ =	sdelay $0x2  }
0x5f: {  	v4 =	vld.idx.msk [tilespmem:v2+s4+$0x0], $0xffff;
	_ =	sdelay $0x4  }
0x60: {  	[tilespmem:v3+s19+$0x0] =	vst.idx.add.f32.msk $0xffff, v4  }
0x61: {  	v2 =	vld.idx.msk [tilespmem:v2+s15+$0x0], $0xffff;
	_ =	sdelay $0x4  }
0x62: {  	[tilespmem:v3+s20+$0x0] =	vst.idx.add.f32.msk $0xffff, v2  }
0x63: {  	[tilespmem:v3+s21+$0x0] =	vst.idx.add.f32.msk $0xffff, v1  }
0x64: {  	[hbm4b:s7+s22] =	stream.strided.scatter [tilespmem:s19], [sflag:$0x4], $0x2780, s23, s22, $0x38;
	[tilespmem:$0x11680] =	vst v63  }
0x65: {  	_ =	swait.ge [sflag:s24], $0x2780  }
0x66: {  	[sflag:s24] =	ssyncset.done $0x0  }
0x67: {  	[sflag:s24] =	ssyncadd.s32 $0xFFFFD880  }
0x68: {  	[hbm4b:s8+s22] =	stream.strided.scatter [tilespmem:s20], [sflag:$0x4], $0x2780, s23, s22, $0x38;
	[tilespmem:$0x11680] =	vst v63  }
0x69: {  	s25 =	sadd.s32 $0x1, s25;
	_ =	swait.ge [sflag:s24], $0x2780  }
0x6a: {  	p0 =	sne.s32 s25, s10;
	[sflag:s24] =	ssyncset.done $0x0  }
.Ltmp2:
0x6b: {  	[sflag:s24] =	ssyncadd.s32 $0xFFFFD880;
	(pc) =	sbr.rel @p0 .LBB2_1-.Ltmp2, $4  }
0x6c: {  	[hbm4b:s9+s22] =	stream.strided.scatter [tilespmem:s21], [sflag:$0x4], $0x2780, s23, s22, $0x38;
	[tilespmem:$0x11680] =	vst v63  }
0x6d: {  	_ =	swait.ge [sflag:s24], $0x2780  }
0x6e: {  	[sflag:s24] =	ssyncset.done $0x0  }
0x6f: {  	[sflag:s24] =	ssyncadd.s32 $0xFFFFD880  }
0x70: {  	_ =	sfence.sel $0x180000  }
0x71: {  	[bflag:$0x0] =	sbarrier.arrive $0xFFFF  }
0x72: {  	_ =	strace $0x90000047  }
0x73: {  	s0 =	stileid.u32;
	[bflag:$0x2] =	sbarrier.arrive $0xFFFF  }
0x74: {  	p0 =	sne.s32 s0, $0x0;
	s0 =	rddreg [dreg:$0x5]  }
0x75: {  	s0 =	sadd.s32 @!p0 $0x100000, s0  }
0x76: {  	[sflag:s0] =	ssyncadd.tile.s32 @!p0 $0x1;
	_ =	shalt  }
.Lfunc_end2:
_tile_overlayer_lowered:
.L_overlay_start_2:
0x77: {  	(tag) =	ssettag $0x2  }
0x78: {  	s0 =	rddreg [dreg:$0x0];
	s2 =	stileid.u32  }
0x79: {  	s1 =	rddreg [dreg:$0x1];
	p0 =	sne.s32 s2, $0x0  }
0x7a: {  	s3 =	rddreg [dreg:$0x2];
	[bflag:$0x3] =	sbarrier.arrive $0xFFFF;
	s2 =	simm.s32 @!p0 $0x1C04  }
0x7b: {  	[timem:s3], [sflag:s2] =	dma.local @!p0 [hbm:s0], s1  }
0x7c: {  	s0 =	simm.s32 @!p0 $0x4  }
0x7d: {  	_ =	swait.ge @!p0 [sflag:s0], s1  }
0x7e: {  	s1 =	ssub.s32 @!p0 $0x0, s1;
	[sflag:s0] =	ssyncset.done @!p0 $0x0  }
0x7f: {  	[sflag:s0] =	ssyncadd.s32 @!p0 s1  }
0x80: {  	[bflag:$0x3] =	sbarrier.arrive $0xFFFF  }
0x81: {  	_ =	shalt  }

</sc_bundles>
